<compile_context>
chip_gen: v7x
topology: tpu7x:2x2x1
jax: 0.10.2.dev20260603
libtpu: 0.0.44.dev20260713+nightly
codegen_flags: <defaults>
</compile_context>

<pallas_src>
import functools

import jax
import jax.numpy as jnp
from jax import lax
from jax.experimental import pallas as pl
from jax.experimental.pallas import tpu as pltpu
from jax.experimental.pallas import tpu_sc as plsc

B, C, H, W = 8, 4, 512, 512
NI = 16384
HW = H * W

NUM_CORES = 2
NUM_SUBCORES = 16
NW = NUM_CORES * NUM_SUBCORES

CH = 4096
CHUNKS_PER_SEG = NI // CH

_mesh = plsc.VectorSubcoreMesh(core_axis_name="c", subcore_axis_name="s")


@functools.partial(
    pl.kernel,
    mesh=_mesh,
    out_type=jax.ShapeDtypeStruct((NW, 16), jnp.float32),
    scratch_types=[
        pltpu.VMEM((4 * CH,), jnp.int32),
        pltpu.VMEM((CH,), jnp.int32),
        pltpu.VMEM((CH,), jnp.int32),
        pltpu.VMEM((CH,), jnp.float32),
        pltpu.VMEM((CH,), jnp.float32),
        pltpu.VMEM((16,), jnp.float32),
        pltpu.SemaphoreType.DMA,
    ],
)
def _loss_kernel(pred_hbm, iv0_hbm, iv1_hbm, out_hbm,
                 raw_v, idxb_v, idxd_v, valb_v, vald_v, acc_v, sem):
    wid = lax.axis_index("s") * NUM_CORES + lax.axis_index("c")
    lane = lax.iota(jnp.int32, 16)
    base = wid * HW
    c = wid % C

    def run_array(iv_hbm, g, acc):
        def chunk_body(ch, acc):
            off = (wid * CHUNKS_PER_SEG + ch) * (4 * CH)
            pltpu.sync_copy(iv_hbm.at[pl.ds(off, 4 * CH)], raw_v)

            def build(k, _):
                s = k * 16
                x0 = raw_v[pl.ds(s, 16)]
                y0 = raw_v[pl.ds(CH + s, 16)]
                x1 = raw_v[pl.ds(2 * CH + s, 16)]
                y1 = raw_v[pl.ds(3 * CH + s, 16)]
                idxb_v[pl.ds(s, 16)] = x0 * W + y0 + base
                idxd_v[pl.ds(s, 16)] = x1 * W + y1 + base
                return 0
            lax.fori_loop(0, CH // 16, build, 0)

            cb = pltpu.async_copy(pred_hbm.at[idxb_v], valb_v, sem)
            cd = pltpu.async_copy(pred_hbm.at[idxd_v], vald_v, sem)
            cb.wait()
            cd.wait()

            def accum(m, acc):
                s = pl.ds(m * 16, 16)
                d = valb_v[s] - vald_v[s]
                return acc + d * d
            acc = lax.fori_loop(0, CH // 16, accum, acc)

            vb0 = valb_v[pl.ds(0, 16)]
            vd0 = vald_v[pl.ds(0, 16)]
            d0 = vb0 - vd0
            d0 = d0 * d0
            g_eff = jnp.where(ch == 0, g, 0)
            acc = acc + jnp.where(lane < g_eff, 1.0 - 2.0 * d0, 0.0)
            return acc

        return lax.fori_loop(0, CHUNKS_PER_SEG, chunk_body, acc)

    g0 = jnp.where(c == 1, 2, jnp.where(c == 2, 3, 1))
    g1 = jnp.where(c == 1, 1, jnp.where(c == 2, 2, jnp.where(c == 3, 1, 0)))

    acc = jnp.zeros((16,), jnp.float32)
    acc = run_array(iv0_hbm, g0, acc)
    acc = run_array(iv1_hbm, g1, acc)

    acc_v[...] = acc
    pltpu.sync_copy(acc_v, out_hbm.at[wid])


def _rearrange(iv):
    return iv.reshape(-1, CH, 4).transpose(0, 2, 1).reshape(-1)


def kernel(prediction, intervals_comp_0, intervals_comp_1):
    pred_flat = prediction.reshape(-1)
    parts = _loss_kernel(pred_flat,
                         _rearrange(intervals_comp_0),
                         _rearrange(intervals_comp_1))
    return jnp.sum(parts)

# --- scband reference (transcript-rebuilt; emitter-appended) ---
"""Pipeline reference for scband-birth-death-loss-12034498363966 (READ-ONLY COPY).

The authoritative reference and input builder live on the scoring server;
editing this copy changes nothing except your own understanding.
"""

import jax, jax.numpy as jnp
import numpy as np

B, C, H, W = 8, 4, 512, 512
NI = 16384
# betti_numbers = [[1,0],[2,1],[3,2],[1,1]] -> per-class good interval counts
GOOD0 = [1, 2, 3, 1]
GOOD1 = [0, 1, 2, 1]


def setup_inputs(seed: int = 0) -> dict:
    key = jax.random.key(seed)
    k1, k2, k3 = jax.random.split(key, 3)
    prediction = jax.random.normal(k1, (B, C, H, W), dtype=jnp.float32)
    intervals_comp_0 = jax.random.randint(k2, (B, C, NI, 2, 2), 0, 512, dtype=jnp.int32)
    intervals_comp_1 = jax.random.randint(k3, (B, C, NI, 2, 2), 0, 512, dtype=jnp.int32)
    return {
        "prediction": prediction,
        "intervals_comp_0": intervals_comp_0,
        "intervals_comp_1": intervals_comp_1,
    }


def _interval_diff(prediction, intervals, num_comps):
    b, c, h, w = prediction.shape
    ni = intervals.shape[2]
    # Concatenation order in the original: sample-major, then class, then interval.
    flat = intervals.reshape(b * c * ni, 2, 2)
    sample_idx = jnp.repeat(jnp.arange(b), c * ni)
    class_idx = jnp.tile(jnp.repeat(jnp.arange(c), ni), b)
    # good_intervals: ones for the first min(num_comps[j], ni) intervals of each (sample, class)
    good_per_class = jnp.stack(
        [(jnp.arange(ni) < min(int(num_comps[j]), ni)).astype(jnp.float32) for j in range(c)],
        axis=0,
    )  # [c, ni]
    good = jnp.tile(good_per_class.reshape(-1), b)  # [b*c*ni]
    birth_x = flat[:, 0, 0]
    birth_y = flat[:, 0, 1]
    death_x = flat[:, 1, 0]
    death_y = flat[:, 1, 1]
    birth_values = prediction[sample_idx, class_idx, birth_x, birth_y]
    death_values = prediction[sample_idx, class_idx, death_x, death_y]
    interval_diff = (birth_values - death_values) ** 2
    interval_diff = jnp.where(good == 1, 1.0 - interval_diff, interval_diff)
    return jnp.sum(interval_diff)


def reference(prediction, intervals_comp_0, intervals_comp_1):
    loss_0 = _interval_diff(prediction, intervals_comp_0, GOOD0)
    loss_1 = _interval_diff(prediction, intervals_comp_1, GOOD1)
    return loss_0 + loss_1

if __name__ == "__main__":
    import jax
    _d = setup_inputs()
    print(jax.jit(kernel)(*tuple(_d.values())))

</pallas_src>

<mosaic_0001>
#map = affine_map<(d0, d1) -> (0)>
#map1 = affine_map<(d0, d1) -> (0, 0)>
module attributes {stable_mosaic.version = 14 : i64} {
  func.func @_loss_kernel(%arg0: i32, %arg1: i32, %arg2: memref<8388608xf32, #tpu.memory_space<hbm>>, %arg3: memref<2097152xi32, #tpu.memory_space<hbm>>, %arg4: memref<2097152xi32, #tpu.memory_space<hbm>>, %arg5: memref<32x16xf32, #tpu.memory_space<hbm>>, %arg6: memref<16384xi32, #tpu.memory_space<vmem>>, %arg7: memref<4096xi32, #tpu.memory_space<vmem>>, %arg8: memref<4096xi32, #tpu.memory_space<vmem>>, %arg9: memref<4096xf32, #tpu.memory_space<vmem>>, %arg10: memref<4096xf32, #tpu.memory_space<vmem>>, %arg11: memref<16xf32, #tpu.memory_space<vmem>>, %arg12: memref<!tpu.dma_semaphore, #tpu.memory_space<semaphore_mem>>) attributes {dimension_semantics = [#tpu.dimension_semantics<core_parallel>, #tpu.dimension_semantics<subcore_parallel>], iteration_bounds = array<i64: 2, 16>, scalar_prefetch = 0 : i64, scratch_operands = 7 : i64, tpu.core_type = #tpu.core_type<sc_vector_subcore>, window_params = [{transform_indices = #map}, {transform_indices = #map}, {transform_indices = #map}, {transform_indices = #map1}]} {
    %mul3A = arith.constant 2 : i32
    %mul3A_0 = arith.muli %arg1, %mul3A : i32
    %add3A = arith.addi %mul3A_0, %arg0 : i32
    %iota3A = tpu.iota {dimensions = array<i32: 0>} : vector<16xi32>
    %mul3A_1 = arith.constant 262144 : i32
    %mul3A_2 = arith.muli %add3A, %mul3A_1 : i32
    %jit3A = arith.constant 4 : i32
    %eq3A = arith.constant 0 : i32
    %eq3A_3 = arith.cmpi eq, %jit3A, %eq3A : i32
    %jit3A_4 = arith.constant 1 : i32
    %select_n3A = arith.select %eq3A_3, %jit3A_4, %jit3A : i32
    %rem3A = arith.remsi %add3A, %select_n3A : i32
    %ne3A = arith.constant 0 : i32
    %ne3A_5 = arith.cmpi ne, %rem3A, %ne3A : i32
    %lt3A = arith.constant 0 : i32
    %lt3A_6 = arith.cmpi slt, %rem3A, %lt3A : i32
    %lt3A_7 = arith.constant 0 : i32
    %lt3A_8 = arith.cmpi slt, %select_n3A, %lt3A_7 : i32
    %ne3A_9 = arith.xori %lt3A_6, %lt3A_8 : i1
    %and3A = arith.andi %ne3A_9, %ne3A_5 : i1
    %add3A_10 = arith.addi %rem3A, %select_n3A : i32
    %select_n3A_11 = arith.select %and3A, %add3A_10, %rem3A : i32
    %eq3A_12 = arith.constant 1 : i32
    %eq3A_13 = arith.cmpi eq, %select_n3A_11, %eq3A_12 : i32
    %eq3A_14 = arith.constant 2 : i32
    %eq3A_15 = arith.cmpi eq, %select_n3A_11, %eq3A_14 : i32
    %jit3A_16 = arith.constant 3 : i32
    %jit3A_17 = arith.constant 1 : i32
    %select_n3A_18 = arith.select %eq3A_15, %jit3A_16, %jit3A_17 : i32
    %jit3A_19 = arith.constant 2 : i32
    %select_n3A_20 = arith.select %eq3A_13, %jit3A_19, %select_n3A_18 : i32
    %eq3A_21 = arith.constant 1 : i32
    %eq3A_22 = arith.cmpi eq, %select_n3A_11, %eq3A_21 : i32
    %eq3A_23 = arith.constant 2 : i32
    %eq3A_24 = arith.cmpi eq, %select_n3A_11, %eq3A_23 : i32
    %eq3A_25 = arith.constant 3 : i32
    %eq3A_26 = arith.cmpi eq, %select_n3A_11, %eq3A_25 : i32
    %jit3A_27 = arith.constant 1 : i32
    %jit3A_28 = arith.constant 0 : i32
    %select_n3A_29 = arith.select %eq3A_26, %jit3A_27, %jit3A_28 : i32
    %jit3A_30 = arith.constant 2 : i32
    %select_n3A_31 = arith.select %eq3A_24, %jit3A_30, %select_n3A_29 : i32
    %jit3A_32 = arith.constant 1 : i32
    %select_n3A_33 = arith.select %eq3A_22, %jit3A_32, %select_n3A_31 : i32
    %broadcast_in_dim3A = arith.constant 0.000000e+00 : f32
    %broadcast_in_dim3A_34 = vector.broadcast %broadcast_in_dim3A : f32 to vector<16xf32>
    %scan3A = arith.constant 0 : i32
    %scan3A_35 = arith.constant 4 : i32
    %scan3A_36 = arith.addi %scan3A, %scan3A_35 : i32
    %scan3A_37 = arith.constant 1 : i32
    %scan3A_38 = scf.for %scan3A_49 = %scan3A to %scan3A_36 step %scan3A_37 iter_args(%scan3A_50 = %broadcast_in_dim3A_34) -> (vector<16xf32>)  : i32 {
      %mul3A_51 = arith.constant 4 : i32
      %mul3A_52 = arith.muli %add3A, %mul3A_51 : i32
      %add3A_53 = arith.addi %mul3A_52, %scan3A_49 : i32
      %mul3A_54 = arith.constant 16384 : i32
      %mul3A_55 = arith.muli %add3A_53, %mul3A_54 : i32
      "tpu.region"() ({
        %run_scoped3A = tpu.sem_alloc : memref<!tpu.dma_semaphore, #tpu.memory_space<semaphore_mem>>
        %dma_start3A_97 = tpu.memref_slice %arg3[%mul3A_55] : memref<2097152xi32, #tpu.memory_space<hbm>> -> memref<16384xi32, #tpu.memory_space<hbm>>
        %dma_start3A_98 = tpu.memref_slice %arg3[%mul3A_55] : memref<2097152xi32, #tpu.memory_space<hbm>> -> memref<16384xi32, #tpu.memory_space<hbm>>
        tpu.enqueue_dma source(%dma_start3A_98 : memref<16384xi32, #tpu.memory_space<hbm>>) target(%arg6 : memref<16384xi32, #tpu.memory_space<vmem>>) target_semaphore(%run_scoped3A : memref<!tpu.dma_semaphore, #tpu.memory_space<semaphore_mem>>)
        %dma_wait3A_99 = tpu.memref_slice %arg3[%mul3A_55] : memref<2097152xi32, #tpu.memory_space<hbm>> -> memref<16384xi32, #tpu.memory_space<hbm>>
        %dma_wait3A_100 = tpu.memref_slice %arg3[%mul3A_55] : memref<2097152xi32, #tpu.memory_space<hbm>> -> memref<16384xi32, #tpu.memory_space<hbm>>
        tpu.wait_dma2 semaphore(%run_scoped3A : memref<!tpu.dma_semaphore, #tpu.memory_space<semaphore_mem>>) src(%dma_wait3A_100 : memref<16384xi32, #tpu.memory_space<hbm>>) dst(%arg6 : memref<16384xi32, #tpu.memory_space<vmem>>)
        tpu.yield
      }) : () -> ()
      %scan3A_56 = arith.constant 0 : i32
      %scan3A_57 = arith.constant 0 : i32
      %scan3A_58 = arith.constant 256 : i32
      %scan3A_59 = arith.addi %scan3A_57, %scan3A_58 : i32
      %scan3A_60 = arith.constant 1 : i32
      %scan3A_61 = scf.for %scan3A_97 = %scan3A_57 to %scan3A_59 step %scan3A_60 iter_args(%scan3A_98 = %scan3A_56) -> (i32)  : i32 {
        %mul3A_99 = arith.constant 16 : i32
        %mul3A_100 = arith.muli %scan3A_97, %mul3A_99 : i32
        %get3A_101 = arith.index_cast %mul3A_100 : i32 to index
        %get3A_102 = tpu.vector_load %arg6[%get3A_101] {strides = array<i32>} : memref<16384xi32, #tpu.memory_space<vmem>>, vector<16xi32>,
        %get3A_103 = vector.shape_cast %get3A_102 : vector<16xi32> to vector<16xi32>
        %add3A_104 = arith.constant 4096 : i32
        %add3A_105 = arith.addi %add3A_104, %mul3A_100 : i32
        %get3A_106 = arith.index_cast %add3A_105 : i32 to index
        %get3A_107 = tpu.vector_load %arg6[%get3A_106] {strides = array<i32>} : memref<16384xi32, #tpu.memory_space<vmem>>, vector<16xi32>,
        %get3A_108 = vector.shape_cast %get3A_107 : vector<16xi32> to vector<16xi32>
        %add3A_109 = arith.constant 8192 : i32
        %add3A_110 = arith.addi %add3A_109, %mul3A_100 : i32
        %get3A_111 = arith.index_cast %add3A_110 : i32 to index
        %get3A_112 = tpu.vector_load %arg6[%get3A_111] {strides = array<i32>} : memref<16384xi32, #tpu.memory_space<vmem>>, vector<16xi32>,
        %get3A_113 = vector.shape_cast %get3A_112 : vector<16xi32> to vector<16xi32>
        %add3A_114 = arith.constant 12288 : i32
        %add3A_115 = arith.addi %add3A_114, %mul3A_100 : i32
        %get3A_116 = arith.index_cast %add3A_115 : i32 to index
        %get3A_117 = tpu.vector_load %arg6[%get3A_116] {strides = array<i32>} : memref<16384xi32, #tpu.memory_space<vmem>>, vector<16xi32>,
        %get3A_118 = vector.shape_cast %get3A_117 : vector<16xi32> to vector<16xi32>
        %mul3A_119 = arith.constant 512 : i32
        %mul3A_120 = vector.broadcast %mul3A_119 : i32 to vector<16xi32>
        %mul3A_121 = arith.muli %get3A_103, %mul3A_120 : vector<16xi32>
        %add3A_122 = arith.addi %mul3A_121, %get3A_108 : vector<16xi32>
        %add3A_123 = vector.broadcast %mul3A_2 : i32 to vector<16xi32>
        %add3A_124 = arith.addi %add3A_122, %add3A_123 : vector<16xi32>
        %swap3A_125 = arith.index_cast %mul3A_100 : i32 to index
        %swap3A_126 = tpu.vector_load %arg7[%swap3A_125] {strides = array<i32>} : memref<4096xi32, #tpu.memory_space<vmem>>, vector<16xi32>,
        %swap3A_127 = vector.shape_cast %swap3A_126 : vector<16xi32> to vector<16xi32>
        %swap3A_128 = vector.shape_cast %add3A_124 : vector<16xi32> to vector<16xi32>
        tpu.vector_store %arg7[%swap3A_125], %swap3A_128 {strides = array<i32>} : memref<4096xi32, #tpu.memory_space<vmem>>, vector<16xi32>,
        %mul3A_129 = arith.constant 512 : i32
        %mul3A_130 = vector.broadcast %mul3A_129 : i32 to vector<16xi32>
        %mul3A_131 = arith.muli %get3A_113, %mul3A_130 : vector<16xi32>
        %add3A_132 = arith.addi %mul3A_131, %get3A_118 : vector<16xi32>
        %add3A_133 = vector.broadcast %mul3A_2 : i32 to vector<16xi32>
        %add3A_134 = arith.addi %add3A_132, %add3A_133 : vector<16xi32>
        %swap3A_135 = arith.index_cast %mul3A_100 : i32 to index
        %swap3A_136 = tpu.vector_load %arg8[%swap3A_135] {strides = array<i32>} : memref<4096xi32, #tpu.memory_space<vmem>>, vector<16xi32>,
        %swap3A_137 = vector.shape_cast %swap3A_136 : vector<16xi32> to vector<16xi32>
        %swap3A_138 = vector.shape_cast %add3A_134 : vector<16xi32> to vector<16xi32>
        tpu.vector_store %arg8[%swap3A_135], %swap3A_138 {strides = array<i32>} : memref<4096xi32, #tpu.memory_space<vmem>>, vector<16xi32>,
        %scan3A_139 = arith.constant 0 : i32
        scf.yield %scan3A_139 : i32
      }
      %scan3A_62 = arith.constant 256 : i32
      %dma_start3A = arith.constant 0 : i32
      %dma_start3A_63 = tpu.memref_slice %arg2[%dma_start3A] : memref<8388608xf32, #tpu.memory_space<hbm>> -> memref<8388608xf32, #tpu.memory_space<hbm>>
      tpu.enqueue_indirect_dma source(%dma_start3A_63 : memref<8388608xf32, #tpu.memory_space<hbm>>) target(%arg9 : memref<4096xf32, #tpu.memory_space<vmem>>) offsets(%arg7 : memref<4096xi32, #tpu.memory_space<vmem>>) semaphore(%arg12 : memref<!tpu.dma_semaphore, #tpu.memory_space<semaphore_mem>>)
      %dma_start3A_64 = arith.constant 0 : i32
      %dma_start3A_65 = tpu.memref_slice %arg2[%dma_start3A_64] : memref<8388608xf32, #tpu.memory_space<hbm>> -> memref<8388608xf32, #tpu.memory_space<hbm>>
      tpu.enqueue_indirect_dma source(%dma_start3A_65 : memref<8388608xf32, #tpu.memory_space<hbm>>) target(%arg10 : memref<4096xf32, #tpu.memory_space<vmem>>) offsets(%arg8 : memref<4096xi32, #tpu.memory_space<vmem>>) semaphore(%arg12 : memref<!tpu.dma_semaphore, #tpu.memory_space<semaphore_mem>>)
      %dma_wait3A = arith.constant 0 : i32
      %dma_wait3A_66 = tpu.memref_slice %arg2[%dma_wait3A] : memref<8388608xf32, #tpu.memory_space<hbm>> -> memref<8388608xf32, #tpu.memory_space<hbm>>
      tpu.wait_indirect_dma semaphore(%arg12 : memref<!tpu.dma_semaphore, #tpu.memory_space<semaphore_mem>>) src(%dma_wait3A_66 : memref<8388608xf32, #tpu.memory_space<hbm>>) dst(%arg9 : memref<4096xf32, #tpu.memory_space<vmem>>)
      %dma_wait3A_67 = arith.constant 0 : i32
      %dma_wait3A_68 = tpu.memref_slice %arg2[%dma_wait3A_67] : memref<8388608xf32, #tpu.memory_space<hbm>> -> memref<8388608xf32, #tpu.memory_space<hbm>>
      tpu.wait_indirect_dma semaphore(%arg12 : memref<!tpu.dma_semaphore, #tpu.memory_space<semaphore_mem>>) src(%dma_wait3A_68 : memref<8388608xf32, #tpu.memory_space<hbm>>) dst(%arg10 : memref<4096xf32, #tpu.memory_space<vmem>>)
      %scan3A_69 = arith.constant 0 : i32
      %scan3A_70 = arith.constant 256 : i32
      %scan3A_71 = arith.addi %scan3A_69, %scan3A_70 : i32
      %scan3A_72 = arith.constant 1 : i32
      %scan3A_73 = scf.for %scan3A_97 = %scan3A_69 to %scan3A_71 step %scan3A_72 iter_args(%scan3A_98 = %scan3A_50) -> (vector<16xf32>)  : i32 {
        %mul3A_99 = arith.constant 16 : i32
        %mul3A_100 = arith.muli %scan3A_97, %mul3A_99 : i32
        %get3A_101 = arith.index_cast %mul3A_100 : i32 to index
        %get3A_102 = tpu.vector_load %arg9[%get3A_101] {strides = array<i32>} : memref<4096xf32, #tpu.memory_space<vmem>>, vector<16xf32>,
        %get3A_103 = vector.shape_cast %get3A_102 : vector<16xf32> to vector<16xf32>
        %get3A_104 = arith.index_cast %mul3A_100 : i32 to index
        %get3A_105 = tpu.vector_load %arg10[%get3A_104] {strides = array<i32>} : memref<4096xf32, #tpu.memory_space<vmem>>, vector<16xf32>,
        %get3A_106 = vector.shape_cast %get3A_105 : vector<16xf32> to vector<16xf32>
        %sub3A_107 = arith.subf %get3A_103, %get3A_106 : vector<16xf32>
        %mul3A_108 = arith.mulf %sub3A_107, %sub3A_107 : vector<16xf32>
        %add3A_109 = arith.addf %scan3A_98, %mul3A_108 : vector<16xf32>
        scf.yield %add3A_109 : vector<16xf32>
      }
      %scan3A_74 = arith.constant 256 : i32
      %get3A = arith.constant 0 : index
      %get3A_75 = tpu.vector_load %arg9[%get3A] {strides = array<i32>} : memref<4096xf32, #tpu.memory_space<vmem>>, vector<16xf32>,
      %get3A_76 = vector.shape_cast %get3A_75 : vector<16xf32> to vector<16xf32>
      %get3A_77 = arith.constant 0 : index
      %get3A_78 = tpu.vector_load %arg10[%get3A_77] {strides = array<i32>} : memref<4096xf32, #tpu.memory_space<vmem>>, vector<16xf32>,
      %get3A_79 = vector.shape_cast %get3A_78 : vector<16xf32> to vector<16xf32>
      %sub3A = arith.subf %get3A_76, %get3A_79 : vector<16xf32>
      %mul3A_80 = arith.mulf %sub3A, %sub3A : vector<16xf32>
      %eq3A_81 = arith.constant 0 : i32
      %eq3A_82 = arith.cmpi eq, %scan3A_49, %eq3A_81 : i32
      %jit3A_83 = arith.constant 0 : i32
      %select_n3A_84 = arith.select %eq3A_82, %select_n3A_20, %jit3A_83 : i32
      %lt3A_85 = vector.broadcast %select_n3A_84 : i32 to vector<16xi32>
      %lt3A_86 = arith.cmpi slt, %iota3A, %lt3A_85 : vector<16xi32>
      %mul3A_87 = arith.constant 2.000000e+00 : f32
      %mul3A_88 = vector.broadcast %mul3A_87 : f32 to vector<16xf32>
      %mul3A_89 = arith.mulf %mul3A_88, %mul3A_80 : vector<16xf32>
      %sub3A_90 = arith.constant 1.000000e+00 : f32
      %sub3A_91 = vector.broadcast %sub3A_90 : f32 to vector<16xf32>
      %sub3A_92 = arith.subf %sub3A_91, %mul3A_89 : vector<16xf32>
      %jit3A_93 = arith.constant 0.000000e+00 : f32
      %broadcast_in_dim3A_94 = vector.broadcast %jit3A_93 : f32 to vector<16xf32>
      %select_n3A_95 = arith.select %lt3A_86, %sub3A_92, %broadcast_in_dim3A_94 : vector<16xi1>, vector<16xf32>
      %add3A_96 = arith.addf %scan3A_73, %select_n3A_95 : vector<16xf32>
      scf.yield %add3A_96 : vector<16xf32>
    }
    %scan3A_39 = arith.constant 4 : i32
    %scan3A_40 = arith.constant 0 : i32
    %scan3A_41 = arith.constant 4 : i32
    %scan3A_42 = arith.addi %scan3A_40, %scan3A_41 : i32
    %scan3A_43 = arith.constant 1 : i32
    %scan3A_44 = scf.for %scan3A_49 = %scan3A_40 to %scan3A_42 step %scan3A_43 iter_args(%scan3A_50 = %scan3A_38) -> (vector<16xf32>)  : i32 {
      %mul3A_51 = arith.constant 4 : i32
      %mul3A_52 = arith.muli %add3A, %mul3A_51 : i32
      %add3A_53 = arith.addi %mul3A_52, %scan3A_49 : i32
      %mul3A_54 = arith.constant 16384 : i32
      %mul3A_55 = arith.muli %add3A_53, %mul3A_54 : i32
      "tpu.region"() ({
        %run_scoped3A = tpu.sem_alloc : memref<!tpu.dma_semaphore, #tpu.memory_space<semaphore_mem>>
        %dma_start3A_97 = tpu.memref_slice %arg4[%mul3A_55] : memref<2097152xi32, #tpu.memory_space<hbm>> -> memref<16384xi32, #tpu.memory_space<hbm>>
        %dma_start3A_98 = tpu.memref_slice %arg4[%mul3A_55] : memref<2097152xi32, #tpu.memory_space<hbm>> -> memref<16384xi32, #tpu.memory_space<hbm>>
        tpu.enqueue_dma source(%dma_start3A_98 : memref<16384xi32, #tpu.memory_space<hbm>>) target(%arg6 : memref<16384xi32, #tpu.memory_space<vmem>>) target_semaphore(%run_scoped3A : memref<!tpu.dma_semaphore, #tpu.memory_space<semaphore_mem>>)
        %dma_wait3A_99 = tpu.memref_slice %arg4[%mul3A_55] : memref<2097152xi32, #tpu.memory_space<hbm>> -> memref<16384xi32, #tpu.memory_space<hbm>>
        %dma_wait3A_100 = tpu.memref_slice %arg4[%mul3A_55] : memref<2097152xi32, #tpu.memory_space<hbm>> -> memref<16384xi32, #tpu.memory_space<hbm>>
        tpu.wait_dma2 semaphore(%run_scoped3A : memref<!tpu.dma_semaphore, #tpu.memory_space<semaphore_mem>>) src(%dma_wait3A_100 : memref<16384xi32, #tpu.memory_space<hbm>>) dst(%arg6 : memref<16384xi32, #tpu.memory_space<vmem>>)
        tpu.yield
      }) : () -> ()
      %scan3A_56 = arith.constant 0 : i32
      %scan3A_57 = arith.constant 0 : i32
      %scan3A_58 = arith.constant 256 : i32
      %scan3A_59 = arith.addi %scan3A_57, %scan3A_58 : i32
      %scan3A_60 = arith.constant 1 : i32
      %scan3A_61 = scf.for %scan3A_97 = %scan3A_57 to %scan3A_59 step %scan3A_60 iter_args(%scan3A_98 = %scan3A_56) -> (i32)  : i32 {
        %mul3A_99 = arith.constant 16 : i32
        %mul3A_100 = arith.muli %scan3A_97, %mul3A_99 : i32
        %get3A_101 = arith.index_cast %mul3A_100 : i32 to index
        %get3A_102 = tpu.vector_load %arg6[%get3A_101] {strides = array<i32>} : memref<16384xi32, #tpu.memory_space<vmem>>, vector<16xi32>,
        %get3A_103 = vector.shape_cast %get3A_102 : vector<16xi32> to vector<16xi32>
        %add3A_104 = arith.constant 4096 : i32
        %add3A_105 = arith.addi %add3A_104, %mul3A_100 : i32
        %get3A_106 = arith.index_cast %add3A_105 : i32 to index
        %get3A_107 = tpu.vector_load %arg6[%get3A_106] {strides = array<i32>} : memref<16384xi32, #tpu.memory_space<vmem>>, vector<16xi32>,
        %get3A_108 = vector.shape_cast %get3A_107 : vector<16xi32> to vector<16xi32>
        %add3A_109 = arith.constant 8192 : i32
        %add3A_110 = arith.addi %add3A_109, %mul3A_100 : i32
        %get3A_111 = arith.index_cast %add3A_110 : i32 to index
        %get3A_112 = tpu.vector_load %arg6[%get3A_111] {strides = array<i32>} : memref<16384xi32, #tpu.memory_space<vmem>>, vector<16xi32>,
        %get3A_113 = vector.shape_cast %get3A_112 : vector<16xi32> to vector<16xi32>
        %add3A_114 = arith.constant 12288 : i32
        %add3A_115 = arith.addi %add3A_114, %mul3A_100 : i32
        %get3A_116 = arith.index_cast %add3A_115 : i32 to index
        %get3A_117 = tpu.vector_load %arg6[%get3A_116] {strides = array<i32>} : memref<16384xi32, #tpu.memory_space<vmem>>, vector<16xi32>,
        %get3A_118 = vector.shape_cast %get3A_117 : vector<16xi32> to vector<16xi32>
        %mul3A_119 = arith.constant 512 : i32
        %mul3A_120 = vector.broadcast %mul3A_119 : i32 to vector<16xi32>
        %mul3A_121 = arith.muli %get3A_103, %mul3A_120 : vector<16xi32>
        %add3A_122 = arith.addi %mul3A_121, %get3A_108 : vector<16xi32>
        %add3A_123 = vector.broadcast %mul3A_2 : i32 to vector<16xi32>
        %add3A_124 = arith.addi %add3A_122, %add3A_123 : vector<16xi32>
        %swap3A_125 = arith.index_cast %mul3A_100 : i32 to index
        %swap3A_126 = tpu.vector_load %arg7[%swap3A_125] {strides = array<i32>} : memref<4096xi32, #tpu.memory_space<vmem>>, vector<16xi32>,
        %swap3A_127 = vector.shape_cast %swap3A_126 : vector<16xi32> to vector<16xi32>
        %swap3A_128 = vector.shape_cast %add3A_124 : vector<16xi32> to vector<16xi32>
        tpu.vector_store %arg7[%swap3A_125], %swap3A_128 {strides = array<i32>} : memref<4096xi32, #tpu.memory_space<vmem>>, vector<16xi32>,
        %mul3A_129 = arith.constant 512 : i32
        %mul3A_130 = vector.broadcast %mul3A_129 : i32 to vector<16xi32>
        %mul3A_131 = arith.muli %get3A_113, %mul3A_130 : vector<16xi32>
        %add3A_132 = arith.addi %mul3A_131, %get3A_118 : vector<16xi32>
        %add3A_133 = vector.broadcast %mul3A_2 : i32 to vector<16xi32>
        %add3A_134 = arith.addi %add3A_132, %add3A_133 : vector<16xi32>
        %swap3A_135 = arith.index_cast %mul3A_100 : i32 to index
        %swap3A_136 = tpu.vector_load %arg8[%swap3A_135] {strides = array<i32>} : memref<4096xi32, #tpu.memory_space<vmem>>, vector<16xi32>,
        %swap3A_137 = vector.shape_cast %swap3A_136 : vector<16xi32> to vector<16xi32>
        %swap3A_138 = vector.shape_cast %add3A_134 : vector<16xi32> to vector<16xi32>
        tpu.vector_store %arg8[%swap3A_135], %swap3A_138 {strides = array<i32>} : memref<4096xi32, #tpu.memory_space<vmem>>, vector<16xi32>,
        %scan3A_139 = arith.constant 0 : i32
        scf.yield %scan3A_139 : i32
      }
      %scan3A_62 = arith.constant 256 : i32
      %dma_start3A = arith.constant 0 : i32
      %dma_start3A_63 = tpu.memref_slice %arg2[%dma_start3A] : memref<8388608xf32, #tpu.memory_space<hbm>> -> memref<8388608xf32, #tpu.memory_space<hbm>>
      tpu.enqueue_indirect_dma source(%dma_start3A_63 : memref<8388608xf32, #tpu.memory_space<hbm>>) target(%arg9 : memref<4096xf32, #tpu.memory_space<vmem>>) offsets(%arg7 : memref<4096xi32, #tpu.memory_space<vmem>>) semaphore(%arg12 : memref<!tpu.dma_semaphore, #tpu.memory_space<semaphore_mem>>)
      %dma_start3A_64 = arith.constant 0 : i32
      %dma_start3A_65 = tpu.memref_slice %arg2[%dma_start3A_64] : memref<8388608xf32, #tpu.memory_space<hbm>> -> memref<8388608xf32, #tpu.memory_space<hbm>>
      tpu.enqueue_indirect_dma source(%dma_start3A_65 : memref<8388608xf32, #tpu.memory_space<hbm>>) target(%arg10 : memref<4096xf32, #tpu.memory_space<vmem>>) offsets(%arg8 : memref<4096xi32, #tpu.memory_space<vmem>>) semaphore(%arg12 : memref<!tpu.dma_semaphore, #tpu.memory_space<semaphore_mem>>)
      %dma_wait3A = arith.constant 0 : i32
      %dma_wait3A_66 = tpu.memref_slice %arg2[%dma_wait3A] : memref<8388608xf32, #tpu.memory_space<hbm>> -> memref<8388608xf32, #tpu.memory_space<hbm>>
      tpu.wait_indirect_dma semaphore(%arg12 : memref<!tpu.dma_semaphore, #tpu.memory_space<semaphore_mem>>) src(%dma_wait3A_66 : memref<8388608xf32, #tpu.memory_space<hbm>>) dst(%arg9 : memref<4096xf32, #tpu.memory_space<vmem>>)
      %dma_wait3A_67 = arith.constant 0 : i32
      %dma_wait3A_68 = tpu.memref_slice %arg2[%dma_wait3A_67] : memref<8388608xf32, #tpu.memory_space<hbm>> -> memref<8388608xf32, #tpu.memory_space<hbm>>
      tpu.wait_indirect_dma semaphore(%arg12 : memref<!tpu.dma_semaphore, #tpu.memory_space<semaphore_mem>>) src(%dma_wait3A_68 : memref<8388608xf32, #tpu.memory_space<hbm>>) dst(%arg10 : memref<4096xf32, #tpu.memory_space<vmem>>)
      %scan3A_69 = arith.constant 0 : i32
      %scan3A_70 = arith.constant 256 : i32
      %scan3A_71 = arith.addi %scan3A_69, %scan3A_70 : i32
      %scan3A_72 = arith.constant 1 : i32
      %scan3A_73 = scf.for %scan3A_97 = %scan3A_69 to %scan3A_71 step %scan3A_72 iter_args(%scan3A_98 = %scan3A_50) -> (vector<16xf32>)  : i32 {
        %mul3A_99 = arith.constant 16 : i32
        %mul3A_100 = arith.muli %scan3A_97, %mul3A_99 : i32
        %get3A_101 = arith.index_cast %mul3A_100 : i32 to index
        %get3A_102 = tpu.vector_load %arg9[%get3A_101] {strides = array<i32>} : memref<4096xf32, #tpu.memory_space<vmem>>, vector<16xf32>,
        %get3A_103 = vector.shape_cast %get3A_102 : vector<16xf32> to vector<16xf32>
        %get3A_104 = arith.index_cast %mul3A_100 : i32 to index
        %get3A_105 = tpu.vector_load %arg10[%get3A_104] {strides = array<i32>} : memref<4096xf32, #tpu.memory_space<vmem>>, vector<16xf32>,
        %get3A_106 = vector.shape_cast %get3A_105 : vector<16xf32> to vector<16xf32>
        %sub3A_107 = arith.subf %get3A_103, %get3A_106 : vector<16xf32>
        %mul3A_108 = arith.mulf %sub3A_107, %sub3A_107 : vector<16xf32>
        %add3A_109 = arith.addf %scan3A_98, %mul3A_108 : vector<16xf32>
        scf.yield %add3A_109 : vector<16xf32>
      }
      %scan3A_74 = arith.constant 256 : i32
      %get3A = arith.constant 0 : index
      %get3A_75 = tpu.vector_load %arg9[%get3A] {strides = array<i32>} : memref<4096xf32, #tpu.memory_space<vmem>>, vector<16xf32>,
      %get3A_76 = vector.shape_cast %get3A_75 : vector<16xf32> to vector<16xf32>
      %get3A_77 = arith.constant 0 : index
      %get3A_78 = tpu.vector_load %arg10[%get3A_77] {strides = array<i32>} : memref<4096xf32, #tpu.memory_space<vmem>>, vector<16xf32>,
      %get3A_79 = vector.shape_cast %get3A_78 : vector<16xf32> to vector<16xf32>
      %sub3A = arith.subf %get3A_76, %get3A_79 : vector<16xf32>
      %mul3A_80 = arith.mulf %sub3A, %sub3A : vector<16xf32>
      %eq3A_81 = arith.constant 0 : i32
      %eq3A_82 = arith.cmpi eq, %scan3A_49, %eq3A_81 : i32
      %jit3A_83 = arith.constant 0 : i32
      %select_n3A_84 = arith.select %eq3A_82, %select_n3A_33, %jit3A_83 : i32
      %lt3A_85 = vector.broadcast %select_n3A_84 : i32 to vector<16xi32>
      %lt3A_86 = arith.cmpi slt, %iota3A, %lt3A_85 : vector<16xi32>
      %mul3A_87 = arith.constant 2.000000e+00 : f32
      %mul3A_88 = vector.broadcast %mul3A_87 : f32 to vector<16xf32>
      %mul3A_89 = arith.mulf %mul3A_88, %mul3A_80 : vector<16xf32>
      %sub3A_90 = arith.constant 1.000000e+00 : f32
      %sub3A_91 = vector.broadcast %sub3A_90 : f32 to vector<16xf32>
      %sub3A_92 = arith.subf %sub3A_91, %mul3A_89 : vector<16xf32>
      %jit3A_93 = arith.constant 0.000000e+00 : f32
      %broadcast_in_dim3A_94 = vector.broadcast %jit3A_93 : f32 to vector<16xf32>
      %select_n3A_95 = arith.select %lt3A_86, %sub3A_92, %broadcast_in_dim3A_94 : vector<16xi1>, vector<16xf32>
      %add3A_96 = arith.addf %scan3A_73, %select_n3A_95 : vector<16xf32>
      scf.yield %add3A_96 : vector<16xf32>
    }
    %scan3A_45 = arith.constant 4 : i32
    %swap3A = arith.constant 0 : index
    %swap3A_46 = tpu.vector_load %arg11[%swap3A] {strides = array<i32>} : memref<16xf32, #tpu.memory_space<vmem>>, vector<16xf32>,
    %swap3A_47 = vector.shape_cast %swap3A_46 : vector<16xf32> to vector<16xf32>
    %swap3A_48 = vector.shape_cast %scan3A_44 : vector<16xf32> to vector<16xf32>
    tpu.vector_store %arg11[%swap3A], %swap3A_48 {strides = array<i32>} : memref<16xf32, #tpu.memory_space<vmem>>, vector<16xf32>,
    "tpu.region"() ({
      %run_scoped3A = tpu.sem_alloc : memref<!tpu.dma_semaphore, #tpu.memory_space<semaphore_mem>>
      %dma_start3A = arith.constant 0 : i32
      %dma_start3A_49 = tpu.memref_slice %arg5[%add3A, %dma_start3A] : memref<32x16xf32, #tpu.memory_space<hbm>> -> memref<1x16xf32, #tpu.memory_space<hbm>>
      %dma_start3A_50 = tpu.memref_squeeze %dma_start3A_49 : memref<1x16xf32, #tpu.memory_space<hbm>> -> memref<16xf32, #tpu.memory_space<hbm>>
      %dma_start3A_51 = arith.constant 0 : i32
      %dma_start3A_52 = tpu.memref_slice %arg5[%add3A, %dma_start3A_51] : memref<32x16xf32, #tpu.memory_space<hbm>> -> memref<1x16xf32, #tpu.memory_space<hbm>>
      %dma_start3A_53 = tpu.memref_squeeze %dma_start3A_52 : memref<1x16xf32, #tpu.memory_space<hbm>> -> memref<16xf32, #tpu.memory_space<hbm>>
      tpu.enqueue_dma source(%arg11 : memref<16xf32, #tpu.memory_space<vmem>>) target(%dma_start3A_53 : memref<16xf32, #tpu.memory_space<hbm>>) target_semaphore(%run_scoped3A : memref<!tpu.dma_semaphore, #tpu.memory_space<semaphore_mem>>)
      %dma_wait3A = arith.constant 0 : i32
      %dma_wait3A_54 = tpu.memref_slice %arg5[%add3A, %dma_wait3A] : memref<32x16xf32, #tpu.memory_space<hbm>> -> memref<1x16xf32, #tpu.memory_space<hbm>>
      %dma_wait3A_55 = tpu.memref_squeeze %dma_wait3A_54 : memref<1x16xf32, #tpu.memory_space<hbm>> -> memref<16xf32, #tpu.memory_space<hbm>>
      %dma_wait3A_56 = arith.constant 0 : i32
      %dma_wait3A_57 = tpu.memref_slice %arg5[%add3A, %dma_wait3A_56] : memref<32x16xf32, #tpu.memory_space<hbm>> -> memref<1x16xf32, #tpu.memory_space<hbm>>
      %dma_wait3A_58 = tpu.memref_squeeze %dma_wait3A_57 : memref<1x16xf32, #tpu.memory_space<hbm>> -> memref<16xf32, #tpu.memory_space<hbm>>
      tpu.wait_dma2 semaphore(%run_scoped3A : memref<!tpu.dma_semaphore, #tpu.memory_space<semaphore_mem>>) src(%arg11 : memref<16xf32, #tpu.memory_space<vmem>>) dst(%dma_wait3A_58 : memref<16xf32, #tpu.memory_space<hbm>>)
      tpu.yield
    }) : () -> ()
    return
  }
}

</mosaic_0001>

<sc_bundles>
// kernel: kernel.3.cloned.1.call-start
scs
__scs_entry_jumppad:
0x0: {  	(pc) =	sbr.rel $0x88, $3  }
0x1: {  	(tag) =	ssettag $0x0;
	lr =	simm.s32 $0x1  }
0x2: {  	[smem:$0x3F9E] =	sst lr;
	_ =	strace $0xD0000000  }
0x3: {  	_ = 	snop  }
0x4: {  	_ = 	snop  }
0x5: {  	_ = 	snop  }
0x6: {  	_ = 	snop  }
0x7: {  	_ = 	snop  }
__scs_overlays_trampoline_lowered:
0x8: {  	[smem:$0x3FAD] =	sst s0  }
0x9: {  	[smem:$0x3FAE] =	sst s1  }
0xa: {  	[smem:$0x3FAF] =	sst s2  }
0xb: {  	[smem:$0x3FB0] =	sst s3  }
0xc: {  	[smem:$0x3FB1] =	sst s4  }
0xd: {  	[smem:$0x3FB2] =	sst s5  }
0xe: {  	[smem:$0x3FB3] =	sst s6  }
0xf: {  	[smem:$0x3FB4] =	sst s7  }
0x10: {  	[smem:$0x3FB5] =	sst s8  }
0x11: {  	[smem:$0x3FB6] =	sst s9;
	s0 =	simm.s32 @!p0 $0x0  }
0x12: {  	s1 =	sld [smem:$0x3F9C];
	s0 =	simm.s32 @p0 $0x1  }
0x13: {  	[smem:$0x3FB7] =	sst s0;
	s0 =	simm.s32 @!p1 $0x0  }
0x14: {  	s2 =	sld [smem:$0x3F9B];
	s0 =	simm.s32 @p1 $0x1  }
0x15: {  	[smem:$0x3FB8] =	sst s0;
	s0 =	simm.s32 @!p2 $0x0  }
0x16: {  	s3 =	sld [smem:$0x3FDB];
	s0 =	simm.s32 @p2 $0x1  }
0x17: {  	s4 =	simm.s32 $0x1BF5;
	[smem:$0x3FBA] =	sst s0  }
0x18: {  	s0 =	sld [smem:$0x3F9D];
	_ =	swait.ge [sflag:s4], $0x0  }
0x19: {  	s7 =	sld [smem:$0x3F9E]  }
0x1a: {  	s8 =	sadd.s32 $0xFFFFE003, lr  }
0x1b: {  	s9 =	sadd.s32 $0xFFFFFEF7, lr;
	s5 =	simm.s32 $0xFFFFFFFF;
	p2 =	slt.u32 s8, $0xFFFFF086  }
0x1c: {  	p1 =	slt.u32 s9, $0xF7A;
	s5 =	simm.s32 @!p2 $0x0  }
0x1d: {  	s5 =	simm.s32 @p1 $0x1;
	p0 =	seq.s32 s7, s2  }
0x1e: {  	s7 =	smul.u32 @!p0 $0xF7A, s2;
	p2 =	seq.s32 @!p0 s5, $0x0  }
0x1f: {  	s9 =	smul.u32 $0xF7A, s1;
	s8 =	simm.s32 @!p0 $0x1BF5;
	p2 =	por !p2, p0  }
0x20: {  	[sflag:s8] =	ssyncset.s32 @!p0 $0xFFFFF086;
	s6 =	sadd.s32 @!p0 s3, s7;
	s7 =	simm.s32 @!p0 $0x108  }
0x21: {  	s3 =	sadd.s32 s3, s9;
	s6 =	sadd.s32 @!p0 $0x88, s6;
	s7 =	simm.s32 @p2 $0x1082  }
0x22: {  	[simem:s7], [sflag:s8] =	dma.local @!p0 [hbm:s6], $0xF7A  }
0x23: {  	s9 =	sor.u32 $0xD0000000, s2;
	s6 =	simm.s32 $0x108;
	_ =	swait.ge @!p0 [sflag:s8], $0x0  }
0x24: {  	s3 =	sadd.s32 $0x88, s3;
	s6 =	simm.s32 @!p1 $0x1082;
	[sflag:s4] =	ssyncset.s32 $0xFFFFF086  }
0x25: {  	[simem:s6], [sflag:s4] =	dma.local [hbm:s3], $0xF7A  }
0x26: {  	[smem:$0x3F9E] =	sst s1;
	(tag) =	ssettag s2;
	_ =	strace s9  }
0x27: {  	s1 =	sld [smem:$0x3FAE]  }
0x28: {  	s2 =	sld [smem:$0x3FAF]  }
0x29: {  	s4 =	sld [smem:$0x3FB1]  }
0x2a: {  	p0 =	seq.s32 s5, $0x0;
	s5 =	sld [smem:$0x3FB2]  }
0x2b: {  	s6 =	sld [smem:$0x3FB3]  }
0x2c: {  	s7 =	sld [smem:$0x3FB4]  }
0x2d: {  	s3 =	simm.s32 $0x108;
	s8 =	sld [smem:$0x3FB5]  }
0x2e: {  	s3 =	simm.s32 @!p0 $0x1082;
	s9 =	sld [smem:$0x3FB6]  }
0x2f: {  	lr =	sadd.s32 s0, s3;
	s0 =	sld [smem:$0x3FAD]  }
0x30: {  	s3 =	sld [smem:$0x3FB0]  }
0x31: {  	[smem:$0x3FB9] =	sst s10  }
0x32: {  	s10 =	sld [smem:$0x3FB7];
	_ =	sdelay $0x3  }
0x33: {  	p0 =	seq.s32 s10, $0x1;
	s10 =	sld [smem:$0x3FB9];
	_ =	sdelay $0x3  }
0x34: {  	[smem:$0x3FB9] =	sst s10  }
0x35: {  	s10 =	sld [smem:$0x3FB8];
	_ =	sdelay $0x3  }
0x36: {  	p1 =	seq.s32 s10, $0x1;
	s10 =	sld [smem:$0x3FB9];
	_ =	sdelay $0x3  }
0x37: {  	[smem:$0x3FB9] =	sst s10  }
0x38: {  	s10 =	sld [smem:$0x3FBA]  }
0x39: {  	_ = 	snop;
	(pc) =	sbr.ind lr, $3  }
0x3a: {  	_ = 	snop  }
0x3b: {  	_ = 	snop  }
0x3c: {  	p2 =	seq.s32 s10, $0x1;
	s10 =	sld [smem:$0x3FB9]  }
0x3d: {  	_ =	shalt  }
0x3e: {  	_ =	shalt  }
0x3f: {  	_ =	shalt  }
0x40: {  	_ =	shalt  }
0x41: {  	_ =	shalt  }
0x42: {  	_ =	shalt  }
0x43: {  	_ =	shalt  }
0x44: {  	_ =	shalt  }
0x45: {  	_ =	shalt  }
0x46: {  	_ =	shalt  }
0x47: {  	_ =	shalt  }
0x48: {  	_ =	shalt  }
0x49: {  	_ =	shalt  }
0x4a: {  	_ =	shalt  }
0x4b: {  	_ =	shalt  }
0x4c: {  	_ =	shalt  }
0x4d: {  	_ =	shalt  }
0x4e: {  	_ =	shalt  }
0x4f: {  	_ =	shalt  }
0x50: {  	_ =	shalt  }
0x51: {  	_ =	shalt  }
0x52: {  	_ =	shalt  }
0x53: {  	_ =	shalt  }
0x54: {  	_ =	shalt  }
0x55: {  	_ =	shalt  }
0x56: {  	_ =	shalt  }
0x57: {  	_ =	shalt  }
0x58: {  	_ =	shalt  }
0x59: {  	_ =	shalt  }
0x5a: {  	_ =	shalt  }
0x5b: {  	_ =	shalt  }
0x5c: {  	_ =	shalt  }
0x5d: {  	_ =	shalt  }
0x5e: {  	_ =	shalt  }
0x5f: {  	_ =	shalt  }
0x60: {  	_ =	shalt  }
0x61: {  	_ =	shalt  }
0x62: {  	_ =	shalt  }
0x63: {  	_ =	shalt  }
0x64: {  	_ =	shalt  }
0x65: {  	_ =	shalt  }
0x66: {  	_ =	shalt  }
0x67: {  	_ =	shalt  }
0x68: {  	_ =	shalt  }
0x69: {  	_ =	shalt  }
0x6a: {  	_ =	shalt  }
0x6b: {  	_ =	shalt  }
0x6c: {  	_ =	shalt  }
0x6d: {  	_ =	shalt  }
0x6e: {  	_ =	shalt  }
0x6f: {  	_ =	shalt  }
0x70: {  	_ =	shalt  }
0x71: {  	_ =	shalt  }
0x72: {  	_ =	shalt  }
0x73: {  	_ =	shalt  }
0x74: {  	_ =	shalt  }
0x75: {  	_ =	shalt  }
0x76: {  	_ =	shalt  }
0x77: {  	_ =	shalt  }
0x78: {  	_ =	shalt  }
0x79: {  	_ =	shalt  }
0x7a: {  	_ =	shalt  }
0x7b: {  	_ =	shalt  }
0x7c: {  	_ =	shalt  }
0x7d: {  	_ =	shalt  }
0x7e: {  	_ =	shalt  }
0x7f: {  	_ =	shalt  }
0x80: {  	_ =	shalt  }
0x81: {  	_ =	shalt  }
0x82: {  	_ =	shalt  }
0x83: {  	_ =	shalt  }
0x84: {  	_ =	shalt  }
0x85: {  	_ =	shalt  }
0x86: {  	_ =	shalt  }
0x87: {  	_ =	shalt  }
.Lfunc_end0:
.L_simem_size_0:
called_computation.1_lowered:
.L_overlay_start_0:
0x88: {  	s2 =	sld [smem:$0x3FD9]  }
0x89: {  	s3 =	sld [smem:$0x3FFE];
	_ =	sdelay $0x1  }
0x8a: {  	s1 =	srdreg.scid  }
0x8b: {  	s0 =	sand.u32 $0x1, s1  }
0x8c: {  	s16 =	sshll.u32 s0, $0xA;
	s2 =	sadd.s32 s3, s2  }
0x8d: {  	s2 =	sadd.s32 s2, s16  }
0x8e: {  	[smem:$0x3FC5] =	sst s2  }
0x8f: {  	_ = 	snop  }
0x90: {  	(tm) =	ssettm $0x1  }
0x91: {  	s17 =	sld [smem:$0x3FFB];
	_ =	sdelay $0x3  }
0x92: {  	_ =	strace s17  }
0x93: {  	s2 =	sld [smem:$0x3FFC];
	_ =	sdelay $0x3  }
0x94: {  	_ =	strace s2  }
0x95: {  	s2 =	sld [smem:$0x3FFD];
	_ =	sdelay $0x3  }
0x96: {  	_ =	strace s2  }
0x97: {  	_ =	strace $0x8FFFFFFF  }
0x98: {  	s18 =	sld [smem:$0x3FDB];
	_ =	sdelay $0x1  }
0x99: {  	s19 =	simm.s32 $_scs_section_size  }
0x9a: {  	s4 =	simm.s32 $_size__tile_overlayer_lowered;
	s5 =	simm.s32 $_tile_overlayer_lowered  }
0x9b: {  	s22 =	simm.s32 $0x1BFF;
	s21 =	sshll.u32 s5, $0x1;
	s2 =	sadd.s32 s19, s18  }
0x9c: {  	s6 =	simm.s32 $0x0;
	s20 =	sshll.u32 s4, $0x1;
	s4 =	sadd.s32 s21, s2  }
0x9d: {  	[timem:s6], [sflag:s22] =	dma.local [hbm:s4], s20  }
0x9e: {  	_ =	swait.ge [sflag:s22], s20  }
0x9f: {  	s3 =	ssub.s32 $0x0, s20;
	[sflag:s22] =	ssyncset.done $0x0  }
0xa0: {  	[sflag:s22] =	ssyncadd.s32 s3;
	_ =	sdelay $0x1  }
0xa1: {  	s23 =	simm.s32 $0x1B8B  }
0xa2: {  	_ =	swait.ge [sflag:s23], $0x1  }
0xa3: {  	[sflag:s23] =	ssyncset.done $0x0  }
0xa4: {  	s25 =	simm.s32 $0x1B8E;
	s24 =	sld [smem:$0x3FFE];
	[sflag:s23] =	ssyncadd.s32 $0xFFFFFFFF  }
0xa5: {  	s26 =	simm.s32 $execute0_lowered;
	[smem:$0x3FD2] =	sst s25  }
0xa6: {  	s4 =	sshll.u32 s26, $0x1;
	_ =	strace $0x80000049;
	[dreg:$0x1] =	wrdreg $0xFFFFFFFF  }
0xa7: {  	s28 =	simm.s32 $_size_execute0_lowered;
	s2 =	sadd.s32 s2, s4;
	[dreg:$0x0] =	wrdreg $0x0  }
0xa8: {  	s4 =	sshll.u32 s28, $0x1;
	[dreg:$0x2] =	wrdreg s2  }
0xa9: {  	[dreg:$0x3] =	wrdreg s4  }
0xaa: {  	[dreg:$0x4] =	wrdreg $0xC0  }
0xab: {  	_ =	task [dreg:s6], $0x5FFFF  }
0xac: {  	[dreg:$0x1] =	wrdreg $0xFFFFFFFF  }
0xad: {  	[dreg:$0x0] =	wrdreg $0x60  }
0xae: {  	[dreg:$0x2] =	wrdreg s24  }
0xaf: {  	[dreg:$0x3] =	wrdreg $0x9  }
0xb0: {  	_ =	task.clear_ibuf [dreg:s6], $0x4FFFF;
	_ =	strace $0x90000049  }
0xb1: {  	s29 =	simm.s32 $0x9;
	_ =	strace $0x8000004B  }
0xb2: {  	_ =	swait.ge [sflag:s29], $0x1  }
0xb3: {  	[sflag:s29] =	ssyncadd.s32 $0xFFFFFFFF  }
0xb4: {  	_ =	strace $0x9000004B  }
0xb5: {  	_ =	sfence  }
0xb6: {  	s30 =	sld [smem:$0x0];
	_ =	sdelay $0x2  }
0xb7: {  	s31 =	sshll.u32 s1, $0xD;
	s1 =	sshrl.u32 s1, $0x2  }
0xb8: {  	s3 =	sand.u32 $0x4000, s31;
	s1 =	sadd.s32 s1, s30  }
0xb9: {  	s0 =	sor.u32 s3, s0;
	s1 =	sshll.u32 s1, $0x11  }
0xba: {  	s0 =	sor.u32 s1, s0  }
0xbb: {  	s0 =	sadd.s32 $0x8F2B, s0  }
0xbc: {  	[sflag:s0] =	ssyncadd.remote.s32 $0x1  }
0xbd: {  	_ =	sfence.sel $0xFFFF  }
0xbe: {  	[dreg:$0x0] =	wrdreg $0xFFFFFFFF;
	(pc) =	sbr.abs _section_cstart, $3  }
0xbf: {  	[dreg:$0x1] =	wrdreg $0xFFFFFFFF  }
0xc0: {  	_ =	task.clear_ibuf [dreg:s6], $0x2FFFF;
	_ =	strace $0x9FFFFFFF  }
0xc1: {  	(tm) =	ssettm $0x7FFFFFFF  }
tec
execute0_lowered:
.L_overlay_start_1:
0x0: {  	(tag) =	ssettag $0x1  }
0x1: {  	s4 =	rddreg [dreg:$0x0]  }
0x2: {  	s0 =	rddreg [dreg:$0x1];
	s2 =	simm.s32 $0x0;
	s3 =	srdreg.scid  }
0x3: {  	s1 =	stileid.u32;
	s12 =	simm.s32 $0x1000;
	s13 =	simm.s32 $0x4000  }
0x4: {  	s14 =	simm.s32 $0x6000;
	s15 =	simm.s32 $0x5000;
	s17 =	simm.s32 $0x8000  }
0x5: {  	s18 =	simm.s32 $0x0;
	s5 =	sand.u32 $0x1, s3;
	s29 =	sshll.u32 s1, $0x1  }
0x6: {  	[smem:$0x7FF] =	sst s2;
	s3 =	sadd.s32 $0xE00, s4;
	s6 =	sor.u32 s5, s29  }
0x7: {  	_ =	strace $0x8000004A;
	s5 =	ssub.s32 $0x2, s5;
	s7 =	sshll.u32 s6, $0xD  }
0x8: {  	s30 =	sshll.u32 s6, $0x4;
	s9 =	sshrl.u32 s5, $0x1;
	s31 =	sand.u32 $0x3, s6  }
0x9: {  	s16 =	sshll.u32 s6, $0x12;
	s6 =	simm.s32 $0x1;
	s8 =	sadd.s32 s7, s4  }
0xa: {  	s10 =	sadd.s32 s30, s4;
	s11 =	ssub.s32 s5, s9;
	p0 =	seq.s32 s31, $0x1  }
0xb: {  	p1 =	seq.s32 s31, $0x2;
	s4 =	simm.s32 $0x3;
	p2 =	seq.s32 s31, $0x3  }
0xc: {  	s5 =	simm.s32 $0x1;
	v0 =	vmov s16;
	s16 =	simm.s32 $0x7000;
	s4 =	simm.s32 @!p1 $0x1  }
0xd: {  	s5 =	simm.s32 @!p2 $0x0;
	s7 =	sadd.s32 $0x100E00, s8;
	s8 =	sadd.s32 $0x140E00, s8  }
0xe: {  	s9 =	sadd.s32 $0x180E00, s10;
	s10 =	smax.u32 s11, $0x1;
	s5 =	simm.s32 @p1 $0x2  }
0xf: {  	v1 =	vlaneseq.u32;
	s11 =	simm.s32 $0x2;
	s4 =	simm.s32 @p0 $0x2;
	s5 =	simm.s32 @p0 $0x1  }
.LBB2_1:
0x10: {  	v2 =	vimm.f32 $0.0e+00;
	s20 =	simm.s32 $0x0  }
.LBB2_2:
0x11: {  	s19 =	sshll.u32 s20, $0xB  }
0x12: {  	s21 =	simm.s32 $0x0;
	s19 =	sadd.s32 s19, s7  }
0x13: {  	[tilespmem:s21], [sflag:$0x2] =	stream.linear.gather [hbm4b:s19+s21], $0x4000, $0x38;
	[tilespmem:$0x8080] =	vst v63  }
0x14: {  	_ =	swait.ge [sflag:s11], $0x4000  }
0x15: {  	[sflag:s11] =	ssyncset.done $0x0  }
0x16: {  	[sflag:s11] =	ssyncadd.s32 $0xFFFFC000  }
0x17: {  	s31 =	sand.u32 $0xFF0, s21;
	v3 =	vld [tilespmem:s21+$0x0]  }
0x18: {  	v4 =	vld [tilespmem:s31+$0x1000]  }
0x19: {  	v5 =	vld [tilespmem:s31+$0x3000]  }
0x1a: {  	v6 =	vld [tilespmem:s31+$0x2000];
	_ =	sdelay $0x3  }
0x1b: {  	v3 =	vshll.u32 v3, $0x9;
	v4 =	vadd.s32 v0, v4  }
0x1c: {  	s19 =	simm.s32 $0x4000;
	v5 =	vadd.s32 v0, v5;
	v3 =	vadd.s32 v3, v4;
	v4 =	vshll.u32 v6, $0x9  }
0x1d: {  	s21 =	simm.s32 $0x5000;
	[tilespmem:s19+$0x0] =	vst v3;
	v3 =	vadd.s32 v4, v5  }
0x1e: {  	s22 =	simm.s32 $0x10;
	[tilespmem:s21+$0x0] =	vst v3  }
0x1f: {  	s24 =	sand.u32 $0xFF0, s22;
	v4 =	vld [tilespmem:s22+$0x0]  }
0x20: {  	v5 =	vld [tilespmem:s24+$0x1000]  }
0x21: {  	s23 =	simm.s32 $0x20;
	v3 =	vld [tilespmem:s24+$0x3000]  }
.LBB2_3:
0x22: {  	p0 =	sne.s32 s23, $0xFF0;
	v6 =	vld [tilespmem:s24+$0x2000];
	_ =	sdelay $0x3  }
0x23: {  	v4 =	vshll.u32 v4, $0x9;
	v5 =	vadd.s32 v0, v5  }
0x24: {  	s19 =	sadd.s32 $0x10, s19;
	v4 =	vadd.s32 v4, v5;
	v3 =	vadd.s32 v0, v3;
	v5 =	vshll.u32 v6, $0x9  }
.Ltmp0:
0x25: {  	s21 =	sadd.s32 $0x10, s21;
	[tilespmem:s19+$0x0] =	vst v4;
	v3 =	vadd.s32 v5, v3;
	(pc) =	sbr.rel @p0 .LBB2_3-.Ltmp0, $4  }
0x26: {  	s22 =	sadd.s32 $0x10, s22;
	[tilespmem:s21+$0x0] =	vst v3  }
0x27: {  	s24 =	sand.u32 $0xFF0, s23;
	v4 =	vld [tilespmem:s22+$0x0]  }
0x28: {  	v5 =	vld [tilespmem:s24+$0x1000]  }
0x29: {  	s23 =	sadd.s32 $0x10, s23;
	v3 =	vld [tilespmem:s24+$0x3000]  }
0x2a: {  	v6 =	vld [tilespmem:s24+$0x2000];
	_ =	sdelay $0x3  }
0x2b: {  	v4 =	vshll.u32 v4, $0x9;
	v5 =	vadd.s32 v0, v5  }
0x2c: {  	s19 =	sadd.s32 $0x10, s19;
	v4 =	vadd.s32 v4, v5;
	v3 =	vadd.s32 v0, v3;
	v5 =	vshll.u32 v6, $0x9  }
0x2d: {  	s30 =	sadd.s32 $0x10, s21;
	[tilespmem:s19+$0x0] =	vst v4;
	v3 =	vadd.s32 v5, v3  }
0x2e: {  	[tilespmem:s30+$0x0] =	vst v3  }
0x2f: {  	[tilespmem:s14], [sflag:$0x1] =	stream.indirect.gather [hbm4b:s3+s12], $0x1, s13, s12, $0xb8;
	[tilespmem:$0x8080] =	vst v63  }
0x30: {  	_ = 	snop  }
0x31: {  	[tilespmem:s16], [sflag:$0x1] =	stream.indirect.gather [hbm4b:s3+s12], $0x1, s15, s12, $0xb8;
	[tilespmem:$0x8080] =	vst v63  }
0x32: {  	_ =	swait.ge [sflag:s6], $0x1000  }
0x33: {  	[sflag:s6] =	ssyncset.done $0x0  }
0x34: {  	[sflag:s6] =	ssyncadd.s32 $0xFFFFF000  }
0x35: {  	_ =	swait.ge [sflag:s6], $0x1000  }
0x36: {  	[sflag:s6] =	ssyncset.done $0x0  }
0x37: {  	s31 =	simm.s32 $0x0;
	[sflag:s6] =	ssyncadd.s32 $0xFFFFF000  }
0x38: {  	v3 =	vld [tilespmem:s31+$0x6000]  }
0x39: {  	v4 =	vld [tilespmem:s31+$0x7000];
	_ =	sdelay $0x2  }
0x3a: {  	s19 =	simm.s32 $0x40  }
.LBB2_5:
0x3b: {  	s21 =	sshra.s32 s19, $0x2;
	p0 =	sne.s32 s19, $0x3FC0  }
.Ltmp1:
0x3c: {  	s19 =	sadd.s32 $0x40, s19;
	v5 =	vsub.f32 v3, v4;
	v3 =	vld [tilespmem:s21+$0x6000];
	(pc) =	sbr.rel @p0 .LBB2_5-.Ltmp1, $3  }
0x3d: {  	v4 =	vld [tilespmem:s21+$0x7000]  }
0x3e: {  	v5 =	vmul.f32 v5, v5;
	_ =	sdelay $0x1  }
0x3f: {  	v2 =	vadd.f32 v5, v2  }
0x40: {  	v5 =	vld [tilespmem:$0x6000]  }
0x41: {  	v6 =	vld [tilespmem:$0x7000];
	_ =	sdelay $0x4  }
0x42: {  	v5 =	vsub.f32 v5, v6;
	_ =	sdelay $0x1  }
0x43: {  	v5 =	vmul.f32 v5, v5  }
0x44: {  	p0 =	seq.s32 s20, $0x0;
	s19 =	smov.u32 s4;
	s20 =	sadd.s32 $0x1, s20;
	v3 =	vsub.f32 v3, v4  }
0x45: {  	s19 =	simm.s32 @!p0 $0x0;
	p0 =	sne.s32 s20, $0x4;
	v62 =	vadd.f32 v5, v5  }
.Ltmp2:
0x46: {  	v3 =	vmul.f32 v3, v3;
	(pc) =	sbr.rel @p0 .LBB2_2-.Ltmp2, $4  }
0x47: {  	v63 =	vmov s19;
	v4 =	vsub.f32 $1.000000000e+00, v62  }
0x48: {  	vm0 =	vgt.u32 v63, v1;
	v2 =	vadd.f32 v3, v2  }
0x49: {  	v3 =	vnsel vm0, $0x0, v4  }
0x4a: {  	s19 =	simm.s32 $0x0;
	v2 =	vadd.f32 v3, v2  }
0x4b: {  	s20 =	simm.s32 $0x0  }
.LBB2_8:
0x4c: {  	s21 =	sshll.u32 s20, $0xB  }
0x4d: {  	s21 =	sadd.s32 s21, s8  }
0x4e: {  	[tilespmem:s19], [sflag:$0x2] =	stream.linear.gather [hbm4b:s21+s19], $0x4000, $0x38;
	[tilespmem:$0x8080] =	vst v63  }
0x4f: {  	_ =	swait.ge [sflag:s11], $0x4000  }
0x50: {  	[sflag:s11] =	ssyncset.done $0x0  }
0x51: {  	[sflag:s11] =	ssyncadd.s32 $0xFFFFC000  }
0x52: {  	s31 =	sand.u32 $0xFF0, s19;
	v3 =	vld [tilespmem:s19+$0x0]  }
0x53: {  	v4 =	vld [tilespmem:s31+$0x1000]  }
0x54: {  	v5 =	vld [tilespmem:s31+$0x3000]  }
0x55: {  	v6 =	vld [tilespmem:s31+$0x2000];
	_ =	sdelay $0x3  }
0x56: {  	v3 =	vshll.u32 v3, $0x9;
	v4 =	vadd.s32 v0, v4  }
0x57: {  	s21 =	simm.s32 $0x4000;
	v5 =	vadd.s32 v0, v5;
	v3 =	vadd.s32 v3, v4;
	v4 =	vshll.u32 v6, $0x9  }
0x58: {  	s22 =	simm.s32 $0x5000;
	[tilespmem:s21+$0x0] =	vst v3;
	v3 =	vadd.s32 v4, v5  }
0x59: {  	s23 =	simm.s32 $0x10;
	[tilespmem:s22+$0x0] =	vst v3  }
0x5a: {  	s25 =	sand.u32 $0xFF0, s23;
	v4 =	vld [tilespmem:s23+$0x0]  }
0x5b: {  	v5 =	vld [tilespmem:s25+$0x1000]  }
0x5c: {  	s24 =	simm.s32 $0x20;
	v3 =	vld [tilespmem:s25+$0x3000]  }
.LBB2_9:
0x5d: {  	p0 =	sne.s32 s24, $0xFF0;
	v6 =	vld [tilespmem:s25+$0x2000];
	_ =	sdelay $0x3  }
0x5e: {  	v4 =	vshll.u32 v4, $0x9;
	v5 =	vadd.s32 v0, v5  }
0x5f: {  	s21 =	sadd.s32 $0x10, s21;
	v4 =	vadd.s32 v4, v5;
	v3 =	vadd.s32 v0, v3;
	v5 =	vshll.u32 v6, $0x9  }
.Ltmp3:
0x60: {  	s22 =	sadd.s32 $0x10, s22;
	[tilespmem:s21+$0x0] =	vst v4;
	v3 =	vadd.s32 v5, v3;
	(pc) =	sbr.rel @p0 .LBB2_9-.Ltmp3, $4  }
0x61: {  	s23 =	sadd.s32 $0x10, s23;
	[tilespmem:s22+$0x0] =	vst v3  }
0x62: {  	s25 =	sand.u32 $0xFF0, s24;
	v4 =	vld [tilespmem:s23+$0x0]  }
0x63: {  	v5 =	vld [tilespmem:s25+$0x1000]  }
0x64: {  	s24 =	sadd.s32 $0x10, s24;
	v3 =	vld [tilespmem:s25+$0x3000]  }
0x65: {  	v6 =	vld [tilespmem:s25+$0x2000];
	_ =	sdelay $0x3  }
0x66: {  	v4 =	vshll.u32 v4, $0x9;
	v5 =	vadd.s32 v0, v5  }
0x67: {  	s21 =	sadd.s32 $0x10, s21;
	v4 =	vadd.s32 v4, v5;
	v3 =	vadd.s32 v0, v3;
	v5 =	vshll.u32 v6, $0x9  }
0x68: {  	s30 =	sadd.s32 $0x10, s22;
	[tilespmem:s21+$0x0] =	vst v4;
	v3 =	vadd.s32 v5, v3  }
0x69: {  	[tilespmem:s30+$0x0] =	vst v3  }
0x6a: {  	[tilespmem:s14], [sflag:$0x1] =	stream.indirect.gather [hbm4b:s3+s12], $0x1, s13, s12, $0xb8;
	[tilespmem:$0x8080] =	vst v63  }
0x6b: {  	_ = 	snop  }
0x6c: {  	[tilespmem:s16], [sflag:$0x1] =	stream.indirect.gather [hbm4b:s3+s12], $0x1, s15, s12, $0xb8;
	[tilespmem:$0x8080] =	vst v63  }
0x6d: {  	_ =	swait.ge [sflag:s6], $0x1000  }
0x6e: {  	[sflag:s6] =	ssyncset.done $0x0  }
0x6f: {  	[sflag:s6] =	ssyncadd.s32 $0xFFFFF000  }
0x70: {  	_ =	swait.ge [sflag:s6], $0x1000  }
0x71: {  	[sflag:s6] =	ssyncset.done $0x0  }
0x72: {  	s31 =	simm.s32 $0x0;
	[sflag:s6] =	ssyncadd.s32 $0xFFFFF000  }
0x73: {  	v3 =	vld [tilespmem:s31+$0x6000]  }
0x74: {  	v4 =	vld [tilespmem:s31+$0x7000];
	_ =	sdelay $0x2  }
0x75: {  	s21 =	simm.s32 $0x40  }
.LBB2_11:
0x76: {  	s22 =	sshra.s32 s21, $0x2;
	p0 =	sne.s32 s21, $0x3FC0  }
.Ltmp4:
0x77: {  	s21 =	sadd.s32 $0x40, s21;
	v5 =	vsub.f32 v3, v4;
	v3 =	vld [tilespmem:s22+$0x6000];
	(pc) =	sbr.rel @p0 .LBB2_11-.Ltmp4, $3  }
0x78: {  	v4 =	vld [tilespmem:s22+$0x7000]  }
0x79: {  	v5 =	vmul.f32 v5, v5;
	_ =	sdelay $0x1  }
0x7a: {  	v2 =	vadd.f32 v5, v2  }
0x7b: {  	v5 =	vld [tilespmem:$0x6000]  }
0x7c: {  	v6 =	vld [tilespmem:$0x7000];
	_ =	sdelay $0x4  }
0x7d: {  	v5 =	vsub.f32 v5, v6;
	_ =	sdelay $0x1  }
0x7e: {  	v5 =	vmul.f32 v5, v5  }
0x7f: {  	p0 =	seq.s32 s20, $0x0;
	s21 =	smov.u32 s5;
	s20 =	sadd.s32 $0x1, s20;
	v3 =	vsub.f32 v3, v4  }
0x80: {  	s21 =	simm.s32 @!p0 $0x0;
	p0 =	sne.s32 s20, $0x4;
	v62 =	vadd.f32 v5, v5  }
.Ltmp5:
0x81: {  	v3 =	vmul.f32 v3, v3;
	(pc) =	sbr.rel @p0 .LBB2_8-.Ltmp5, $4  }
0x82: {  	v63 =	vmov s21;
	v4 =	vsub.f32 $1.000000000e+00, v62  }
0x83: {  	vm0 =	vgt.u32 v63, v1;
	v2 =	vadd.f32 v3, v2  }
0x84: {  	v3 =	vnsel vm0, $0x0, v4  }
0x85: {  	v2 =	vadd.f32 v3, v2  }
0x86: {  	s18 =	sadd.s32 $0x1, s18  }
0x87: {  	p0 =	sne.s32 s18, s10  }
.Ltmp6:
0x88: {  	[tilespmem:$0x8000] =	vst v2;
	(pc) =	sbr.rel @p0 .LBB2_1-.Ltmp6, $4  }
0x89: {  	[hbm4b:s9+s2] =	stream.linear.scatter [tilespmem:s17], [sflag:$0x2], $0x80, $0x38;
	[tilespmem:$0x8080] =	vst v63  }
0x8a: {  	_ =	swait.ge [sflag:s11], $0x80  }
0x8b: {  	[sflag:s11] =	ssyncset.done $0x0  }
0x8c: {  	[sflag:s11] =	ssyncadd.s32 $0xFFFFFF80  }
0x8d: {  	_ =	sfence.sel $0x180000  }
0x8e: {  	[bflag:$0x0] =	sbarrier.arrive $0xFFFF  }
0x8f: {  	p0 =	sne.s32 s1, $0x0;
	_ =	strace $0x9000004A  }
0x90: {  	s0 =	sadd.s32 @!p0 $0x100000, s0;
	[bflag:$0x2] =	sbarrier.arrive $0xFFFF  }
0x91: {  	[sflag:s0] =	ssyncadd.tile.s32 @!p0 $0x1;
	_ =	shalt  }
.Lfunc_end2:
_tile_overlayer_lowered:
.L_overlay_start_2:
0x92: {  	(tag) =	ssettag $0x2  }
0x93: {  	s0 =	rddreg [dreg:$0x0];
	s2 =	stileid.u32  }
0x94: {  	s1 =	rddreg [dreg:$0x1];
	p0 =	sne.s32 s2, $0x0  }
0x95: {  	s3 =	rddreg [dreg:$0x2];
	[bflag:$0x3] =	sbarrier.arrive $0xFFFF;
	s2 =	simm.s32 @!p0 $0x1C02  }
0x96: {  	[timem:s3], [sflag:s2] =	dma.local @!p0 [hbm:s0], s1  }
0x97: {  	s0 =	simm.s32 @!p0 $0x2  }
0x98: {  	_ =	swait.ge @!p0 [sflag:s0], s1  }
0x99: {  	s1 =	ssub.s32 @!p0 $0x0, s1;
	[sflag:s0] =	ssyncset.done @!p0 $0x0  }
0x9a: {  	[sflag:s0] =	ssyncadd.s32 @!p0 s1  }
0x9b: {  	[bflag:$0x3] =	sbarrier.arrive $0xFFFF  }
0x9c: {  	_ =	shalt  }

// kernel: sparse-core-data-format-call.cloned.1.call-start
scs
called_computation_lowered:
.L_overlay_start_0:
0x0: {  	s2 =	sld [smem:$0x3FD9]  }
0x1: {  	s3 =	sld [smem:$0x3FFE];
	_ =	sdelay $0x1  }
0x2: {  	s1 =	srdreg.scid  }
0x3: {  	s0 =	sand.u32 $0x1, s1  }
0x4: {  	s18 =	sshll.u32 s0, $0xA;
	s2 =	sadd.s32 s3, s2  }
0x5: {  	s2 =	sadd.s32 s2, s18  }
0x6: {  	[smem:$0x3FC5] =	sst s2  }
0x7: {  	_ = 	snop  }
0x8: {  	s2 =	sld [smem:$0x3FC9];
	(tm) =	ssettm $0x1  }
0x9: {  	s19 =	sld [smem:$0x3FFB];
	_ =	sdelay $0x3  }
0xa: {  	_ =	strace s19  }
0xb: {  	s3 =	sld [smem:$0x3FFC];
	_ =	sdelay $0x3  }
0xc: {  	_ =	strace s3  }
0xd: {  	s3 =	sld [smem:$0x3FFD];
	_ =	sdelay $0x3  }
0xe: {  	_ =	strace s3  }
0xf: {  	_ =	strace $0x8FFFFFFF  }
0x10: {  	s20 =	sld [smem:$0x3FDB];
	_ =	sdelay $0x1  }
0x11: {  	s4 =	simm.s32 $_scs_section_size  }
0x12: {  	s5 =	simm.s32 $_size__tile_overlayer_lowered;
	s6 =	simm.s32 $_tile_overlayer_lowered  }
0x13: {  	s23 =	simm.s32 $0x1BFF;
	s22 =	sshll.u32 s6, $0x1;
	s3 =	sadd.s32 s4, s20  }
0x14: {  	s7 =	simm.s32 $0x0;
	s21 =	sshll.u32 s5, $0x1;
	s5 =	sadd.s32 s22, s3  }
0x15: {  	[timem:s7], [sflag:s23] =	dma.local [hbm:s5], s21  }
0x16: {  	_ =	swait.ge [sflag:s23], s21  }
0x17: {  	s4 =	ssub.s32 $0x0, s21;
	[sflag:s23] =	ssyncset.done $0x0  }
0x18: {  	[sflag:s23] =	ssyncadd.s32 s4;
	_ =	sdelay $0x1  }
0x19: {  	s24 =	simm.s32 $0x1B8B  }
0x1a: {  	_ =	swait.ge [sflag:s24], $0x1  }
0x1b: {  	[sflag:s24] =	ssyncset.done $0x0  }
0x1c: {  	s26 =	simm.s32 $0x1B8E;
	s25 =	sld [smem:$0x3FFE];
	[sflag:s24] =	ssyncadd.s32 $0xFFFFFFFF  }
0x1d: {  	s27 =	simm.s32 $execute0_lowered;
	[smem:$0x3FD2] =	sst s26  }
0x1e: {  	s5 =	sshll.u32 s27, $0x1;
	_ =	strace $0x80000046;
	[dreg:$0x1] =	wrdreg $0xFFFFFFFF  }
0x1f: {  	s28 =	simm.s32 $_size_execute0_lowered;
	s3 =	sadd.s32 s3, s5;
	[dreg:$0x0] =	wrdreg $0x0  }
0x20: {  	s5 =	sshll.u32 s28, $0x1;
	[dreg:$0x2] =	wrdreg s3  }
0x21: {  	[dreg:$0x3] =	wrdreg s5  }
0x22: {  	[dreg:$0x4] =	wrdreg $0xC0  }
0x23: {  	_ =	task [dreg:s7], $0x5FFFF  }
0x24: {  	[dreg:$0x1] =	wrdreg $0xFFFFFFFF  }
0x25: {  	[dreg:$0x0] =	wrdreg $0x60  }
0x26: {  	[dreg:$0x2] =	wrdreg s2  }
0x27: {  	[dreg:$0x3] =	wrdreg s25  }
0x28: {  	[dreg:$0x4] =	wrdreg $0x9  }
0x29: {  	_ =	task.clear_ibuf [dreg:s7], $0x5FFFF;
	_ =	strace $0x90000046  }
0x2a: {  	s29 =	simm.s32 $0x9;
	_ =	strace $0x80000048  }
0x2b: {  	_ =	swait.ge [sflag:s29], $0x1  }
0x2c: {  	[sflag:s29] =	ssyncadd.s32 $0xFFFFFFFF  }
0x2d: {  	_ =	strace $0x90000048  }
0x2e: {  	_ =	sfence  }
0x2f: {  	s30 =	sld [smem:$0x0];
	_ =	sdelay $0x2  }
0x30: {  	s31 =	sshll.u32 s1, $0xD;
	s1 =	sshrl.u32 s1, $0x2  }
0x31: {  	s3 =	sand.u32 $0x4000, s31;
	s1 =	sadd.s32 s1, s30  }
0x32: {  	s0 =	sor.u32 s3, s0;
	s1 =	sshll.u32 s1, $0x11  }
0x33: {  	s0 =	sor.u32 s1, s0  }
0x34: {  	s0 =	sadd.s32 $0x8F2B, s0  }
0x35: {  	[sflag:s0] =	ssyncadd.remote.s32 $0x1  }
0x36: {  	_ =	sfence.sel $0xFFFF  }
0x37: {  	[dreg:$0x0] =	wrdreg $0xFFFFFFFF;
	(pc) =	sbr.abs _section_cstart, $3  }
0x38: {  	[dreg:$0x1] =	wrdreg $0xFFFFFFFF  }
0x39: {  	_ =	task.clear_ibuf [dreg:s7], $0x2FFFF;
	_ =	strace $0x9FFFFFFF  }
0x3a: {  	(tm) =	ssettm $0x7FFFFFFF  }
0x3b: {  	_ =	shalt  }
tec
execute0_lowered:
.L_overlay_start_1:
0x0: {  	(tag) =	ssettag $0x1  }
0x1: {  	s0 =	srdreg.scid  }
0x2: {  	s1 =	sshll.u32 s0, $0x4  }
0x3: {  	s2 =	rddreg [dreg:$0x0];
	s0 =	stileid.u32;
	s1 =	sand.u32 $0x10, s1  }
0x4: {  	s4 =	rddreg [dreg:$0x1];
	s7 =	simm.s32 $0x1;
	s1 =	sor.u32 s0, s1  }
0x5: {  	s8 =	simm.s32 $0x2;
	s9 =	simm.s32 $0x0;
	s3 =	sshll.u32 s1, $0x2  }
0x6: {  	s12 =	simm.s32 $0x0;
	s11 =	simm.s32 $0x0;
	s6 =	ssub.s32 $0x800, s3  }
.Ltmp0:
0x7: {  	s4 =	sadd.s32 $0xE00, s4;
	s5 =	sand.u32 $0x7C, s6;
	(pc) =	sbr.rel .LBB1_1-.Ltmp0, $4  }
0x8: {  	s1 =	rddreg [dreg:$0x2];
	_ =	strace $0x80000047;
	p0 =	sne.s32 s5, $0x0  }
0x9: {  	s6 =	sshrl.u32 s6, $0x7;
	s5 =	simm.s32 $0x1;
	s7 =	simm.s32 @!p0 $0x0  }
0xa: {  	s10 =	smov.u32 s3;
	[sflag:s5] =	ssyncpa.u1 $0x0;
	s6 =	sadd.s32 s7, s6  }
0xb: {  	[sflag:s8] =	ssyncpa.u1 $0x0;
	s8 =	simm.s32 $0x0;
	s7 =	sadd.s32 $0x1, s6  }
.LBB1_9:
0xc: {  	s14 =	sadd.s32 $0x80, s10  }
0xd: {  	p1 =	sgt.s32 s14, $0x7FF  }
0xe: {  	s14 =	smov.u32 @p1 s3;
	p1 =	sne.s32 s11, s7  }
.Ltmp1:
0xf: {  	p0 =	slt.u32 s11, $0x2;
	(pc) =	sbr.rel @!p1 .LBB1_10-.Ltmp1, $4  }
0x10: {  	s13 =	simm.s32 @!p0 $0x2  }
0x11: {  	s15 =	sadd.s32 $0x1, s11;
	_ =	swait.ge @!p0 [sflag:s13], $0x4000  }
0x12: {  	s12 =	smov.u32 s10;
	s9 =	sadd.s32 $0x4000, s9;
	[sflag:s13] =	ssyncset.done @!p0 $0x0  }
0x13: {  	s11 =	smov.u32 s15;
	s10 =	smov.u32 s14;
	[sflag:s13] =	ssyncadd.s32 @!p0 $0xFFFFC000  }
.LBB1_1:
0x14: {  	p0 =	sge.u32 s11, s6  }
0x15: {  	s13 =	sxor.u32 @!p0 $0xFFFFFFFF, s11  }
0x16: {  	s31 =	sadd.s32 $0xFFFFFFFF, s11;
	s14 =	sshll.u32 @!p0 s10, $0x9;
	s13 =	sshll.u32 @!p0 s13, $0xE  }
0x17: {  	s15 =	simm.s32 @!p0 $0x0;
	s14 =	sadd.s32 @!p0 s2, s14;
	s13 =	sand.u32 @!p0 $0x4000, s13  }
0x18: {  	[tilespmem:s13], [sflag:$0x1] =	stream.linear.gather @!p0 [hbm4b:s14+s15], $0x4000, $0x38;
	[tilespmem:$0x10000] =	vst v63  }
0x19: {  	p0 =	sge.u32 s31, s6  }
.Ltmp2:
0x1a: {  	_ = 	snop;
	(pc) =	sbr.rel @p0 .LBB1_9-.Ltmp2, $1  }
0x1b: {  	_ =	sdelay $0x3  }
0x1c: {  	s14 =	sand.u32 $0x4000, s9  }
0x1d: {  	_ =	swait.ge [sflag:s5], $0x4000;
	s15 =	sshll.u32 s11, $0xE;
	s16 =	simm.s32 $0x0  }
0x1e: {  	s13 =	sor.u32 $0x40, s14;
	[sflag:s5] =	ssyncset.done $0x0;
	s15 =	sand.u32 $0x4000, s15  }
0x1f: {  	s14 =	sor.u32 $0x8040, s14;
	[sflag:s5] =	ssyncadd.s32 $0xFFFFC000;
	s15 =	sor.u32 $0x8000, s15  }
.LBB1_3:
0x20: {  	s17 =	smov.u32 s14;
	s18 =	smov.u32 s13;
	s19 =	simm.s32 $0x0  }
.LBB1_4:
0x21: {  	v0 =	vmov s17;
	v2 =	vld [tilespmem:s18+$0x30]  }
0x22: {  	v4 =	vld [tilespmem:s18+$0xFFFFFFD0]  }
0x23: {  	v6 =	vld [tilespmem:s18+$0xFFFFFFE0]  }
0x24: {  	v7 =	vld [tilespmem:s18+$0xFFFFFFF0]  }
0x25: {  	s20 =	simm.s32 $0x0;
	v1 =	vld [tilespmem:s18+$0x0]  }
0x26: {  	v3 =	vld [tilespmem:s18+$0x10];
	[tilespmem:v0+s20+$0x30 ss:$0x1] =	vst.idx.msk $0xffff, v2  }
0x27: {  	v5 =	vld [tilespmem:s18+$0x20];
	[tilespmem:v0+s20+$0xFFFFFFD0 ss:$0x1] =	vst.idx.msk $0xffff, v4  }
0x28: {  	s21 =	sadd.s32 $0x80, s18;
	v2 =	vld [tilespmem:s18+$0xFFFFFFC0];
	[tilespmem:v0+s20+$0xFFFFFFE0 ss:$0x1] =	vst.idx.msk $0xffff, v6  }
0x29: {  	s22 =	simm.s32 $0x800;
	s23 =	simm.s32 $0x1000;
	v4 =	vld [tilespmem:s21+$0x30];
	[tilespmem:v0+s20+$0xFFFFFFF0 ss:$0x1] =	vst.idx.msk $0xffff, v7  }
.LBB1_5:
0x2a: {  	p0 =	sne.s32 s23, $0x3800;
	v6 =	vld [tilespmem:s21+$0xFFFFFFD0];
	[tilespmem:v0+s20+$0x0 ss:$0x1] =	vst.idx.msk $0xffff, v1  }
0x2b: {  	v7 =	vld [tilespmem:s21+$0xFFFFFFE0];
	[tilespmem:v0+s20+$0x10 ss:$0x1] =	vst.idx.msk $0xffff, v3  }
0x2c: {  	v8 =	vld [tilespmem:s21+$0xFFFFFFF0];
	[tilespmem:v0+s20+$0x20 ss:$0x1] =	vst.idx.msk $0xffff, v5  }
.Ltmp3:
0x2d: {  	v1 =	vld [tilespmem:s21+$0x0];
	[tilespmem:v0+s20+$0xFFFFFFC0 ss:$0x1] =	vst.idx.msk $0xffff, v2;
	s20 =	sshra.s32 s22, $0x2;
	s22 =	smov.u32 s23;
	(pc) =	sbr.rel @p0 .LBB1_5-.Ltmp3, $4  }
0x2e: {  	v3 =	vld [tilespmem:s21+$0x10];
	[tilespmem:v0+s20+$0x30 ss:$0x1] =	vst.idx.msk $0xffff, v4  }
0x2f: {  	[tilespmem:v0+s20+$0xFFFFFFD0 ss:$0x1] =	vst.idx.msk $0xffff, v6;
	v5 =	vld [tilespmem:s21+$0x20]  }
0x30: {  	v2 =	vld [tilespmem:s21+$0xFFFFFFC0];
	[tilespmem:v0+s20+$0xFFFFFFE0 ss:$0x1] =	vst.idx.msk $0xffff, v7;
	s21 =	sadd.s32 $0x80, s21  }
0x31: {  	s23 =	sadd.s32 $0x800, s23;
	v4 =	vld [tilespmem:s21+$0x30];
	[tilespmem:v0+s20+$0xFFFFFFF0 ss:$0x1] =	vst.idx.msk $0xffff, v8  }
0x32: {  	_ =	sdelay $0x3  }
0x33: {  	v6 =	vld [tilespmem:s21+$0xFFFFFFD0];
	[tilespmem:v0+s20+$0x0 ss:$0x1] =	vst.idx.msk $0xffff, v1  }
0x34: {  	v58 =	vld [tilespmem:s21+$0xFFFFFFE0];
	[tilespmem:v0+s20+$0x10 ss:$0x1] =	vst.idx.msk $0xffff, v3  }
0x35: {  	v59 =	vld [tilespmem:s21+$0xFFFFFFF0];
	[tilespmem:v0+s20+$0x20 ss:$0x1] =	vst.idx.msk $0xffff, v5  }
0x36: {  	s22 =	sshra.s32 s22, $0x2;
	v60 =	vld [tilespmem:s21+$0x0];
	[tilespmem:v0+s20+$0xFFFFFFC0 ss:$0x1] =	vst.idx.msk $0xffff, v2  }
0x37: {  	v61 =	vld [tilespmem:s21+$0x10];
	[tilespmem:v0+s22+$0x30 ss:$0x1] =	vst.idx.msk $0xffff, v4  }
0x38: {  	v62 =	vld [tilespmem:s21+$0x20];
	s19 =	sadd.s32 $0x1, s19;
	[tilespmem:v0+s22+$0xFFFFFFD0 ss:$0x1] =	vst.idx.msk $0xffff, v6  }
0x39: {  	v63 =	vld [tilespmem:s21+$0xFFFFFFC0];
	p0 =	sne.s32 s19, $0x4;
	[tilespmem:v0+s22+$0xFFFFFFE0 ss:$0x1] =	vst.idx.msk $0xffff, v58  }
.Ltmp4:
0x3a: {  	[tilespmem:v0+s22+$0xFFFFFFF0 ss:$0x1] =	vst.idx.msk $0xffff, v59;
	(pc) =	sbr.rel @p0 .LBB1_4-.Ltmp4, $4  }
0x3b: {  	[tilespmem:v0+s22+$0x0 ss:$0x1] =	vst.idx.msk $0xffff, v60  }
0x3c: {  	[tilespmem:v0+s22+$0x10 ss:$0x1] =	vst.idx.msk $0xffff, v61  }
0x3d: {  	[tilespmem:v0+s22+$0x20 ss:$0x1] =	vst.idx.msk $0xffff, v62  }
0x3e: {  	s18 =	sadd.s32 $0x400, s18;
	s17 =	sadd.s32 $0x80, s17;
	[tilespmem:v0+s22+$0xFFFFFFC0 ss:$0x1] =	vst.idx.msk $0xffff, v63  }
0x3f: {  	s16 =	sadd.s32 $0x1, s16  }
0x40: {  	p0 =	sne.s32 s16, $0x4  }
.Ltmp5:
0x41: {  	_ = 	snop;
	(pc) =	sbr.rel @p0 .LBB1_3-.Ltmp5, $2  }
0x42: {  	_ =	sdelay $0x2  }
0x43: {  	s13 =	sadd.s32 $0x1000, s13;
	s14 =	sadd.s32 $0x1000, s14  }
.Ltmp6:
0x44: {  	(pc) =	sbr.rel .LBB1_9-.Ltmp6, $4  }
0x45: {  	_ = 	snop  }
0x46: {  	s12 =	sshll.u32 s12, $0x9  }
0x47: {  	s12 =	sadd.s32 s4, s12  }
0x48: {  	[hbm4b:s12+s8] =	stream.linear.scatter [tilespmem:s15], [sflag:$0x2], $0x4000, $0x38;
	[tilespmem:$0x10000] =	vst v63  }
.LBB1_10:
0x49: {  	_ =	sfence.sel $0x180000  }
0x4a: {  	s2 =	simm.s32 $0x1;
	[bflag:$0x0] =	sbarrier.arrive $0xFFFF  }
0x4b: {  	s31 =	simm.s32 $0x2;
	[sflag:s2] =	ssyncpa.u1 $0x1  }
0x4c: {  	[sflag:s31] =	ssyncpa.u1 $0x1  }
0x4d: {  	p0 =	sne.s32 s0, $0x0;
	_ =	strace $0x90000047  }
0x4e: {  	s0 =	sadd.s32 @!p0 $0x100000, s1;
	[bflag:$0x2] =	sbarrier.arrive $0xFFFF  }
0x4f: {  	[sflag:s0] =	ssyncadd.tile.s32 @!p0 $0x1;
	_ =	shalt  }
.Lfunc_end1:
_tile_overlayer_lowered:
.L_overlay_start_2:
0x50: {  	(tag) =	ssettag $0x2  }
0x51: {  	s0 =	rddreg [dreg:$0x0];
	s2 =	stileid.u32  }
0x52: {  	s1 =	rddreg [dreg:$0x1];
	p0 =	sne.s32 s2, $0x0  }
0x53: {  	s3 =	rddreg [dreg:$0x2];
	[bflag:$0x3] =	sbarrier.arrive $0xFFFF;
	s2 =	simm.s32 @!p0 $0x1C01  }
0x54: {  	[timem:s3], [sflag:s2] =	dma.local @!p0 [hbm:s0], s1  }
0x55: {  	s0 =	simm.s32 @!p0 $0x1  }
0x56: {  	_ =	swait.ge @!p0 [sflag:s0], s1  }
0x57: {  	s1 =	ssub.s32 @!p0 $0x0, s1;
	[sflag:s0] =	ssyncset.done @!p0 $0x0  }
0x58: {  	[sflag:s0] =	ssyncadd.s32 @!p0 s1  }
0x59: {  	[bflag:$0x3] =	sbarrier.arrive $0xFFFF  }
0x5a: {  	_ =	shalt  }

</sc_bundles>
